<compile_context>
chip_gen: v7x
topology: tpu7x:2x2x1
jax: 0.10.2.dev20260603
libtpu: 0.0.44.dev20260713+nightly
codegen_flags: <defaults>
</compile_context>

<pallas_src>
import functools

import jax
import jax.numpy as jnp
from jax import lax
from jax.experimental import pallas as pl
from jax.experimental.pallas import tpu as pltpu
from jax.experimental.pallas import tpu_sc as plsc

_N_TOK = 1152
_DIM = 64
_K = 1024
_COMMIT_W = 0.25
_ENT_W = 0.1
_INV_T = 100.0
_EPS = 1e-05


def _vq_body(x_ref, cb_ref, vq_ref, commit_ref, cbl_ref, ent_ref, idx_ref,
             cbpad_ref):
    flat = x_ref[...]
    cb = cb_ref[...]
    cbpad_ref[...] = jnp.concatenate(
        [cb, jnp.zeros((_K, 128 - _DIM), jnp.float32)], axis=1)

    xc = lax.dot_general(flat, cb, (((1,), (1,)), ((), ())),
                         preferred_element_type=jnp.float32,
                         precision=lax.Precision.HIGHEST)
    x2 = jnp.sum(flat * flat, axis=1, keepdims=True)
    ones = jnp.ones((1, _DIM), jnp.float32)
    c2 = lax.dot_general(ones, cb * cb, (((1,), (1,)), ((), ())),
                         preferred_element_type=jnp.float32,
                         precision=lax.Precision.HIGHEST)
    d2 = jnp.maximum(x2 - 2.0 * xc + c2, 0.0)
    d = jnp.sqrt(d2)

    dmin = jnp.min(d, axis=1, keepdims=True)
    fiota = lax.broadcasted_iota(jnp.int32, (_N_TOK, _K), 1).astype(
        jnp.float32)
    masked = jnp.where(d == dmin, fiota, float(_K))
    fidx = jnp.min(masked, axis=1, keepdims=True)
    idx_ref[...] = fidx.astype(jnp.int32)

    mse = jnp.sum(dmin * dmin) / (_N_TOK * _DIM)
    codebook_loss = 0.5 * mse
    commit_loss = codebook_loss * _COMMIT_W

    zc = (dmin - d) * _INV_T
    e = jnp.exp(zc)
    s = jnp.sum(e, axis=1, keepdims=True)
    rs_ezc = jnp.sum(e * zc, axis=1, keepdims=True)
    inv_s = 1.0 / s
    sample_entropy = -jnp.sum(rs_ezc * inv_s - jnp.log(s)) / _N_TOK
    avg_p = jnp.sum(e * inv_s, axis=0, keepdims=True) / _N_TOK
    avg_entropy = -jnp.sum(avg_p * jnp.log(avg_p + _EPS))
    entropy_loss = (sample_entropy - avg_entropy) * _ENT_W

    vq_ref[...] = jnp.reshape(codebook_loss + commit_loss + entropy_loss,
                              (1, 1))
    commit_ref[...] = jnp.reshape(commit_loss, (1, 1))
    cbl_ref[...] = jnp.reshape(codebook_loss, (1, 1))
    ent_ref[...] = jnp.reshape(entropy_loss, (1, 1))


_SC_INFO = plsc.get_sparse_core_info()
_NC = _SC_INFO.num_cores
_NS = _SC_INFO.num_subcores
_NW_USED = 24
_ROWS_PER_W = _N_TOK // _NW_USED


@functools.partial(
    pl.kernel,
    mesh=plsc.VectorSubcoreMesh(core_axis_name="c", subcore_axis_name="s"),
    out_type=jax.ShapeDtypeStruct((_N_TOK, 128), jnp.float32),
    scratch_types=[
        pltpu.VMEM((_ROWS_PER_W,), jnp.int32),
        pltpu.VMEM((_ROWS_PER_W, 128), jnp.float32),
        pltpu.SemaphoreType.DMA,
    ],
)
def _sc_gather(table_hbm, idx_hbm, out_hbm, idx_v, rows_v, sem):
    wid = lax.axis_index("s") * _NC + lax.axis_index("c")

    @pl.when(wid < _NW_USED)
    def _():
        base = wid * _ROWS_PER_W
        pltpu.sync_copy(idx_hbm.at[pl.ds(base, _ROWS_PER_W)], idx_v)
        pltpu.async_copy(table_hbm.at[idx_v], rows_v, sem).wait()
        pltpu.sync_copy(rows_v, out_hbm.at[pl.ds(base, _ROWS_PER_W)])


def kernel(x, codebook):
    flat = x.reshape(_N_TOK, _DIM)
    scalar = jax.ShapeDtypeStruct((1, 1), jnp.float32)
    out_shape = (
        scalar, scalar, scalar, scalar,
        jax.ShapeDtypeStruct((_N_TOK, 1), jnp.int32),
        jax.ShapeDtypeStruct((_K, 128), jnp.float32),
    )
    vq, commit, cbl, ent, idx, cbpad = pl.pallas_call(
        _vq_body,
        out_shape=out_shape,
    )(flat, codebook)
    q = _sc_gather(cbpad, idx.reshape(_N_TOK))[:, :_DIM]
    return (q.reshape(x.shape),
            vq.reshape(()), commit.reshape(()), cbl.reshape(()),
            ent.reshape(()),
            idx.reshape(x.shape[:-1]))

# --- scband reference (transcript-rebuilt; emitter-appended) ---
"""Pipeline reference for scband-vector-quantizer-49804440764749 (READ-ONLY COPY).

The authoritative reference and input builder live on the scoring server;
editing this copy changes nothing except your own understanding.
"""

import jax, jax.numpy as jnp
import numpy as np

CODEBOOK_SIZE = 1024
CODE_DIM = 64
COMMIT_W = 0.25
ENT_W = 0.1
ENT_T = 0.01
EPS = 1e-05


def setup_inputs(seed: int = 0) -> dict:
    key = jax.random.key(seed)
    k1, k2 = jax.random.split(key)
    x = jax.random.normal(k1, (2, 576, CODE_DIM), dtype=jnp.float32)
    init = jax.nn.initializers.variance_scaling(scale=1.0, mode='fan_in', distribution='uniform')
    codebook = init(k2, (CODEBOOK_SIZE, CODE_DIM), jnp.float32)
    return {"x": x, "codebook": codebook}


def _forward(x, codebook):
    # vector_indexization: cdist via broadcasting, exactly as original
    flat = x.reshape((-1, x.shape[-1]))
    distances = jnp.linalg.norm(jnp.expand_dims(flat, axis=1) - jnp.expand_dims(codebook, axis=0), axis=-1)
    indices = jnp.argmin(distances, axis=-1)
    indices = indices.reshape(x.shape[:-1])
    # one-hot encodings + quantization matmul
    encodings = jax.nn.one_hot(indices, codebook.shape[0], dtype=jnp.float32)
    quantized = jnp.dot(encodings, codebook)
    # losses (optax.l2_loss(a, b) == 0.5 * (a - b)**2)
    commit_loss = (0.5 * jnp.square(x - jax.lax.stop_gradient(quantized))).mean() * COMMIT_W
    codebook_loss = (0.5 * jnp.square(jax.lax.stop_gradient(x) - quantized)).mean()
    # entropy loss on affinity = -distances
    affinity = -distances
    flat_affinity = affinity.reshape((-1, affinity.shape[-1]))
    flat_affinity = flat_affinity / ENT_T
    probs = jax.nn.softmax(flat_affinity, axis=-1)
    log_probs = jax.nn.log_softmax(flat_affinity + EPS, axis=-1)
    target_probs = probs
    avg_probs = jnp.mean(target_probs, axis=0)
    avg_entropy = -jnp.sum(avg_probs * jnp.log(avg_probs + EPS))
    sample_entropy = -jnp.mean(jnp.sum(target_probs * log_probs, axis=-1))
    entropy_loss = (sample_entropy - avg_entropy) * ENT_W
    vq_loss = codebook_loss + commit_loss + entropy_loss
    # straight-through estimator
    quantized_st = x + jax.lax.stop_gradient(quantized - x)
    return quantized_st, vq_loss, commit_loss, codebook_loss, entropy_loss, indices


def reference(x, codebook):
    quantized, vq_loss, commit_loss, codebook_loss, entropy_loss, indices = _forward(x, codebook)
    return (quantized, vq_loss, commit_loss, codebook_loss, entropy_loss, indices)

if __name__ == "__main__":
    import jax
    _d = setup_inputs()
    print(jax.jit(kernel)(*tuple(_d.values())))

</pallas_src>

<mosaic_0001>
#map = affine_map<(d0, d1) -> (0, 0)>
#map1 = affine_map<(d0, d1) -> (0)>
module attributes {stable_mosaic.version = 14 : i64} {
  func.func @_sc_gather(%arg0: i32, %arg1: i32, %arg2: memref<1024x128xf32, #tpu.memory_space<hbm>>, %arg3: memref<1152xi32, #tpu.memory_space<hbm>>, %arg4: memref<1152x128xf32, #tpu.memory_space<hbm>>, %arg5: memref<48xi32, #tpu.memory_space<vmem>>, %arg6: memref<48x128xf32, #tpu.memory_space<vmem>>, %arg7: memref<!tpu.dma_semaphore, #tpu.memory_space<semaphore_mem>>) attributes {dimension_semantics = [#tpu.dimension_semantics<core_parallel>, #tpu.dimension_semantics<subcore_parallel>], iteration_bounds = array<i64: 2, 16>, scalar_prefetch = 0 : i64, scratch_operands = 3 : i64, tpu.core_type = #tpu.core_type<sc_vector_subcore>, window_params = [{transform_indices = #map}, {transform_indices = #map1}, {transform_indices = #map}]} {
    %mul3A = arith.constant 2 : i32
    %mul3A_0 = arith.muli %arg1, %mul3A : i32
    %add3A = arith.addi %mul3A_0, %arg0 : i32
    %lt3A = arith.constant 24 : i32
    %lt3A_1 = arith.cmpi slt, %add3A, %lt3A : i32
    %convert_element_type3A = arith.extui %lt3A_1 : i1 to i32
    %cond3A = arith.constant 0 : i32
    %cond3A_2 = arith.cmpi ne, %convert_element_type3A, %cond3A : i32
    scf.if %cond3A_2 {
      %mul3A_3 = arith.constant 48 : i32
      %mul3A_4 = arith.muli %add3A, %mul3A_3 : i32
      "tpu.region"() ({
        %run_scoped3A = tpu.sem_alloc : memref<!tpu.dma_semaphore, #tpu.memory_space<semaphore_mem>>
        %dma_start3A_9 = tpu.memref_slice %arg3[%mul3A_4] : memref<1152xi32, #tpu.memory_space<hbm>> -> memref<48xi32, #tpu.memory_space<hbm>>
        %dma_start3A_10 = tpu.memref_slice %arg3[%mul3A_4] : memref<1152xi32, #tpu.memory_space<hbm>> -> memref<48xi32, #tpu.memory_space<hbm>>
        tpu.enqueue_dma source(%dma_start3A_10 : memref<48xi32, #tpu.memory_space<hbm>>) target(%arg5 : memref<48xi32, #tpu.memory_space<vmem>>) target_semaphore(%run_scoped3A : memref<!tpu.dma_semaphore, #tpu.memory_space<semaphore_mem>>)
        %dma_wait3A_11 = tpu.memref_slice %arg3[%mul3A_4] : memref<1152xi32, #tpu.memory_space<hbm>> -> memref<48xi32, #tpu.memory_space<hbm>>
        %dma_wait3A_12 = tpu.memref_slice %arg3[%mul3A_4] : memref<1152xi32, #tpu.memory_space<hbm>> -> memref<48xi32, #tpu.memory_space<hbm>>
        tpu.wait_dma2 semaphore(%run_scoped3A : memref<!tpu.dma_semaphore, #tpu.memory_space<semaphore_mem>>) src(%dma_wait3A_12 : memref<48xi32, #tpu.memory_space<hbm>>) dst(%arg5 : memref<48xi32, #tpu.memory_space<vmem>>)
        tpu.yield
      }) : () -> ()
      %dma_start3A = arith.constant 0 : i32
      %dma_start3A_5 = arith.constant 0 : i32
      %dma_start3A_6 = tpu.memref_slice %arg2[%dma_start3A, %dma_start3A_5] : memref<1024x128xf32, #tpu.memory_space<hbm>> -> memref<1024x128xf32, #tpu.memory_space<hbm>>
      tpu.enqueue_indirect_dma source(%dma_start3A_6 : memref<1024x128xf32, #tpu.memory_space<hbm>>) target(%arg6 : memref<48x128xf32, #tpu.memory_space<vmem>>) offsets(%arg5 : memref<48xi32, #tpu.memory_space<vmem>>) semaphore(%arg7 : memref<!tpu.dma_semaphore, #tpu.memory_space<semaphore_mem>>)
      %dma_wait3A = arith.constant 0 : i32
      %dma_wait3A_7 = arith.constant 0 : i32
      %dma_wait3A_8 = tpu.memref_slice %arg2[%dma_wait3A, %dma_wait3A_7] : memref<1024x128xf32, #tpu.memory_space<hbm>> -> memref<1024x128xf32, #tpu.memory_space<hbm>>
      tpu.wait_indirect_dma semaphore(%arg7 : memref<!tpu.dma_semaphore, #tpu.memory_space<semaphore_mem>>) src(%dma_wait3A_8 : memref<1024x128xf32, #tpu.memory_space<hbm>>) dst(%arg6 : memref<48x128xf32, #tpu.memory_space<vmem>>)
      "tpu.region"() ({
        %run_scoped3A = tpu.sem_alloc : memref<!tpu.dma_semaphore, #tpu.memory_space<semaphore_mem>>
        %dma_start3A_9 = arith.constant 0 : i32
        %dma_start3A_10 = tpu.memref_slice %arg4[%mul3A_4, %dma_start3A_9] : memref<1152x128xf32, #tpu.memory_space<hbm>> -> memref<48x128xf32, #tpu.memory_space<hbm>>
        %dma_start3A_11 = arith.constant 0 : i32
        %dma_start3A_12 = tpu.memref_slice %arg4[%mul3A_4, %dma_start3A_11] : memref<1152x128xf32, #tpu.memory_space<hbm>> -> memref<48x128xf32, #tpu.memory_space<hbm>>
        tpu.enqueue_dma source(%arg6 : memref<48x128xf32, #tpu.memory_space<vmem>>) target(%dma_start3A_12 : memref<48x128xf32, #tpu.memory_space<hbm>>) target_semaphore(%run_scoped3A : memref<!tpu.dma_semaphore, #tpu.memory_space<semaphore_mem>>)
        %dma_wait3A_13 = arith.constant 0 : i32
        %dma_wait3A_14 = tpu.memref_slice %arg4[%mul3A_4, %dma_wait3A_13] : memref<1152x128xf32, #tpu.memory_space<hbm>> -> memref<48x128xf32, #tpu.memory_space<hbm>>
        %dma_wait3A_15 = arith.constant 0 : i32
        %dma_wait3A_16 = tpu.memref_slice %arg4[%mul3A_4, %dma_wait3A_15] : memref<1152x128xf32, #tpu.memory_space<hbm>> -> memref<48x128xf32, #tpu.memory_space<hbm>>
        tpu.wait_dma2 semaphore(%run_scoped3A : memref<!tpu.dma_semaphore, #tpu.memory_space<semaphore_mem>>) src(%arg6 : memref<48x128xf32, #tpu.memory_space<vmem>>) dst(%dma_wait3A_16 : memref<48x128xf32, #tpu.memory_space<hbm>>)
        tpu.yield
      }) : () -> ()
    } else {
    }
    return
  }
}

module attributes {stable_mosaic.version = 14 : i64} {
  func.func @_vq_body(%arg0: memref<1152x64xf32, #tpu.memory_space<vmem>>, %arg1: memref<1024x64xf32, #tpu.memory_space<vmem>>, %arg2: memref<1x1xf32, #tpu.memory_space<vmem>>, %arg3: memref<1x1xf32, #tpu.memory_space<vmem>>, %arg4: memref<1x1xf32, #tpu.memory_space<vmem>>, %arg5: memref<1x1xf32, #tpu.memory_space<vmem>>, %arg6: memref<1152x1xi32, #tpu.memory_space<vmem>>, %arg7: memref<1024x128xf32, #tpu.memory_space<vmem>>) attributes {dimension_semantics = [], scalar_prefetch = 0 : i64, scratch_operands = 0 : i64, tpu.core_type = #tpu.core_type<tc>} {
    %get3A = arith.constant 0 : index
    %get3A_0 = arith.constant 0 : index
    %get3A_1 = vector.load %arg0[%get3A, %get3A_0] : memref<1152x64xf32, #tpu.memory_space<vmem>>, vector<1152x64xf32>
    %get3A_2 = arith.constant 0 : index
    %get3A_3 = arith.constant 0 : index
    %get3A_4 = vector.load %arg1[%get3A_2, %get3A_3] : memref<1024x64xf32, #tpu.memory_space<vmem>>, vector<1024x64xf32>
    %broadcast_in_dim3A = arith.constant 0.000000e+00 : f32
    %broadcast_in_dim3A_5 = vector.broadcast %broadcast_in_dim3A : f32 to vector<1024x64xf32>
    %concatenate3A = tpu.concatenate %get3A_4, %broadcast_in_dim3A_5 in 1 : vector<1024x64xf32>, vector<1024x64xf32> -> vector<1024x128xf32>
    %swap3A = arith.constant 0 : index
    %swap3A_6 = arith.constant 0 : index
    %swap3A_7 = vector.load %arg7[%swap3A, %swap3A_6] : memref<1024x128xf32, #tpu.memory_space<vmem>>, vector<1024x128xf32>
    tpu.vector_store %arg7[%swap3A, %swap3A_6], %concatenate3A {strides = array<i32>} : memref<1024x128xf32, #tpu.memory_space<vmem>>, vector<1024x128xf32>,
    %dot_general3A = arith.constant dense<0.000000e+00> : vector<1152x1024xf32>
    %dot_general3A_8 = tpu.matmul %get3A_1, %get3A_4, %dot_general3A {dimension_numbers = #tpu.dot_dimension_numbers<[1], [1], [0], [0], [0, 0, 1, 0], [], []>, precision = #tpu.contract_precision<fp32>, transpose_lhs_hint = false} : vector<1152x64xf32>, vector<1024x64xf32>, vector<1152x1024xf32> -> vector<1152x1024xf32>
    %mul3A = arith.mulf %get3A_1, %get3A_1 : vector<1152x64xf32>
    %reduce_sum3A = arith.constant dense<0.000000e+00> : vector<1152xf32>
    %reduce_sum3A_9 = vector.multi_reduction <add>, %mul3A, %reduce_sum3A [1] : vector<1152x64xf32> to vector<1152xf32>
    %broadcast_in_dim3A_10 = vector.shape_cast %reduce_sum3A_9 : vector<1152xf32> to vector<1152x1xf32>
    %broadcast_in_dim3A_11 = arith.constant 1.000000e+00 : f32
    %broadcast_in_dim3A_12 = vector.broadcast %broadcast_in_dim3A_11 : f32 to vector<1x64xf32>
    %mul3A_13 = arith.mulf %get3A_4, %get3A_4 : vector<1024x64xf32>
    %dot_general3A_14 = arith.constant dense<0.000000e+00> : vector<1x1024xf32>
    %dot_general3A_15 = tpu.matmul %broadcast_in_dim3A_12, %mul3A_13, %dot_general3A_14 {dimension_numbers = #tpu.dot_dimension_numbers<[1], [1], [0], [0], [0, 0, 1, 0], [], []>, precision = #tpu.contract_precision<fp32>, transpose_lhs_hint = false} : vector<1x64xf32>, vector<1024x64xf32>, vector<1x1024xf32> -> vector<1x1024xf32>
    %mul3A_16 = arith.constant 2.000000e+00 : f32
    %mul3A_17 = vector.broadcast %mul3A_16 : f32 to vector<1152x1024xf32>
    %mul3A_18 = arith.mulf %mul3A_17, %dot_general3A_8 : vector<1152x1024xf32>
    %sub3A = vector.broadcast %broadcast_in_dim3A_10 : vector<1152x1xf32> to vector<1152x1024xf32>
    %sub3A_19 = arith.subf %sub3A, %mul3A_18 : vector<1152x1024xf32>
    %add3A = vector.broadcast %dot_general3A_15 : vector<1x1024xf32> to vector<1152x1024xf32>
    %add3A_20 = arith.addf %sub3A_19, %add3A : vector<1152x1024xf32>
    %max3A = arith.constant 0.000000e+00 : f32
    %max3A_21 = vector.broadcast %max3A : f32 to vector<1152x1024xf32>
    %max3A_22 = arith.maximumf %add3A_20, %max3A_21 : vector<1152x1024xf32>
    %sqrt3A = math.sqrt %max3A_22 : vector<1152x1024xf32>
    %reduce_min3A = arith.constant dense<0x7F800000> : vector<1152xf32>
    %reduce_min3A_23 = vector.multi_reduction <minimumf>, %sqrt3A, %reduce_min3A [1] : vector<1152x1024xf32> to vector<1152xf32>
    %broadcast_in_dim3A_24 = vector.shape_cast %reduce_min3A_23 : vector<1152xf32> to vector<1152x1xf32>
    %iota3A = tpu.iota {dimensions = array<i32: 1>} : vector<1152x1024xi32>
    %convert_element_type3A = arith.sitofp %iota3A : vector<1152x1024xi32> to vector<1152x1024xf32>
    %eq3A = vector.broadcast %broadcast_in_dim3A_24 : vector<1152x1xf32> to vector<1152x1024xf32>
    %eq3A_25 = arith.cmpf oeq, %sqrt3A, %eq3A : vector<1152x1024xf32>
    %jit3A = arith.constant 1.024000e+03 : f32
    %broadcast_in_dim3A_26 = vector.broadcast %jit3A : f32 to vector<1152x1024xf32>
    %select_n3A = arith.select %eq3A_25, %convert_element_type3A, %broadcast_in_dim3A_26 : vector<1152x1024xi1>, vector<1152x1024xf32>
    %reduce_min3A_27 = arith.constant dense<0x7F800000> : vector<1152xf32>
    %reduce_min3A_28 = vector.multi_reduction <minimumf>, %select_n3A, %reduce_min3A_27 [1] : vector<1152x1024xf32> to vector<1152xf32>
    %broadcast_in_dim3A_29 = vector.shape_cast %reduce_min3A_28 : vector<1152xf32> to vector<1152x1xf32>
    %convert_element_type3A_30 = arith.fptosi %broadcast_in_dim3A_29 : vector<1152x1xf32> to vector<1152x1xi32>
    %swap3A_31 = arith.constant 0 : index
    %swap3A_32 = arith.constant 0 : index
    %swap3A_33 = vector.load %arg6[%swap3A_31, %swap3A_32] : memref<1152x1xi32, #tpu.memory_space<vmem>>, vector<1152x1xi32>
    tpu.vector_store %arg6[%swap3A_31, %swap3A_32], %convert_element_type3A_30 {strides = array<i32>} : memref<1152x1xi32, #tpu.memory_space<vmem>>, vector<1152x1xi32>,
    %mul3A_34 = arith.mulf %broadcast_in_dim3A_24, %broadcast_in_dim3A_24 : vector<1152x1xf32>
    %reduce_sum3A_35 = vector.shape_cast %mul3A_34 : vector<1152x1xf32> to vector<1x1152x1xf32>
    %reduce_sum3A_36 = arith.constant dense<0.000000e+00> : vector<1xf32>
    %reduce_sum3A_37 = vector.multi_reduction <add>, %reduce_sum3A_35, %reduce_sum3A_36 [1, 2] : vector<1x1152x1xf32> to vector<1xf32>
    %reduce_sum3A_38 = vector.shape_cast %reduce_sum3A_37 : vector<1xf32> to vector<1x1x1xf32>
    %reduce_sum3A_39 = vector.extract %reduce_sum3A_38[0, 0, 0] : f32 from vector<1x1x1xf32>
    %div3A = arith.constant 7.372800e+04 : f32
    %div3A_40 = arith.divf %reduce_sum3A_39, %div3A : f32
    %mul3A_41 = arith.constant 5.000000e-01 : f32
    %mul3A_42 = arith.mulf %mul3A_41, %div3A_40 : f32
    %mul3A_43 = arith.constant 2.500000e-01 : f32
    %mul3A_44 = arith.mulf %mul3A_42, %mul3A_43 : f32
    %sub3A_45 = vector.broadcast %broadcast_in_dim3A_24 : vector<1152x1xf32> to vector<1152x1024xf32>
    %sub3A_46 = arith.subf %sub3A_45, %sqrt3A : vector<1152x1024xf32>
    %mul3A_47 = arith.constant 1.000000e+02 : f32
    %mul3A_48 = vector.broadcast %mul3A_47 : f32 to vector<1152x1024xf32>
    %mul3A_49 = arith.mulf %sub3A_46, %mul3A_48 : vector<1152x1024xf32>
    %exp3A = math.exp %mul3A_49 : vector<1152x1024xf32>
    %reduce_sum3A_50 = arith.constant dense<0.000000e+00> : vector<1152xf32>
    %reduce_sum3A_51 = vector.multi_reduction <add>, %exp3A, %reduce_sum3A_50 [1] : vector<1152x1024xf32> to vector<1152xf32>
    %broadcast_in_dim3A_52 = vector.shape_cast %reduce_sum3A_51 : vector<1152xf32> to vector<1152x1xf32>
    %mul3A_53 = arith.mulf %exp3A, %mul3A_49 : vector<1152x1024xf32>
    %reduce_sum3A_54 = arith.constant dense<0.000000e+00> : vector<1152xf32>
    %reduce_sum3A_55 = vector.multi_reduction <add>, %mul3A_53, %reduce_sum3A_54 [1] : vector<1152x1024xf32> to vector<1152xf32>
    %broadcast_in_dim3A_56 = vector.shape_cast %reduce_sum3A_55 : vector<1152xf32> to vector<1152x1xf32>
    %div3A_57 = arith.constant 1.000000e+00 : f32
    %div3A_58 = vector.broadcast %div3A_57 : f32 to vector<1152x1xf32>
    %div3A_59 = arith.divf %div3A_58, %broadcast_in_dim3A_52 : vector<1152x1xf32>
    %mul3A_60 = arith.mulf %broadcast_in_dim3A_56, %div3A_59 : vector<1152x1xf32>
    %log3A = math.log %broadcast_in_dim3A_52 : vector<1152x1xf32>
    %sub3A_61 = arith.subf %mul3A_60, %log3A : vector<1152x1xf32>
    %reduce_sum3A_62 = vector.shape_cast %sub3A_61 : vector<1152x1xf32> to vector<1x1152x1xf32>
    %reduce_sum3A_63 = arith.constant dense<0.000000e+00> : vector<1xf32>
    %reduce_sum3A_64 = vector.multi_reduction <add>, %reduce_sum3A_62, %reduce_sum3A_63 [1, 2] : vector<1x1152x1xf32> to vector<1xf32>
    %reduce_sum3A_65 = vector.shape_cast %reduce_sum3A_64 : vector<1xf32> to vector<1x1x1xf32>
    %reduce_sum3A_66 = vector.extract %reduce_sum3A_65[0, 0, 0] : f32 from vector<1x1x1xf32>
    %neg3A = arith.constant 0.000000e+00 : f32
    %neg3A_67 = arith.subf %neg3A, %reduce_sum3A_66 : f32
    %div3A_68 = arith.constant 1.152000e+03 : f32
    %div3A_69 = arith.divf %neg3A_67, %div3A_68 : f32
    %mul3A_70 = vector.broadcast %div3A_59 : vector<1152x1xf32> to vector<1152x1024xf32>
    %mul3A_71 = arith.mulf %exp3A, %mul3A_70 : vector<1152x1024xf32>
    %reduce_sum3A_72 = arith.constant dense<0.000000e+00> : vector<1024xf32>
    %reduce_sum3A_73 = vector.multi_reduction <add>, %mul3A_71, %reduce_sum3A_72 [0] : vector<1152x1024xf32> to vector<1024xf32>
    %broadcast_in_dim3A_74 = vector.shape_cast %reduce_sum3A_73 : vector<1024xf32> to vector<1x1024xf32>
    %div3A_75 = arith.constant 1.152000e+03 : f32
    %div3A_76 = vector.broadcast %div3A_75 : f32 to vector<1x1024xf32>
    %div3A_77 = arith.divf %broadcast_in_dim3A_74, %div3A_76 : vector<1x1024xf32>
    %add3A_78 = arith.constant 9.99999974E-6 : f32
    %add3A_79 = vector.broadcast %add3A_78 : f32 to vector<1x1024xf32>
    %add3A_80 = arith.addf %div3A_77, %add3A_79 : vector<1x1024xf32>
    %log3A_81 = math.log %add3A_80 : vector<1x1024xf32>
    %mul3A_82 = arith.mulf %div3A_77, %log3A_81 : vector<1x1024xf32>
    %reduce_sum3A_83 = vector.shape_cast %mul3A_82 : vector<1x1024xf32> to vector<1x1x1024xf32>
    %reduce_sum3A_84 = arith.constant dense<0.000000e+00> : vector<1xf32>
    %reduce_sum3A_85 = vector.multi_reduction <add>, %reduce_sum3A_83, %reduce_sum3A_84 [1, 2] : vector<1x1x1024xf32> to vector<1xf32>
    %reduce_sum3A_86 = vector.shape_cast %reduce_sum3A_85 : vector<1xf32> to vector<1x1x1xf32>
    %reduce_sum3A_87 = vector.extract %reduce_sum3A_86[0, 0, 0] : f32 from vector<1x1x1xf32>
    %neg3A_88 = arith.constant 0.000000e+00 : f32
    %neg3A_89 = arith.subf %neg3A_88, %reduce_sum3A_87 : f32
    %sub3A_90 = arith.subf %div3A_69, %neg3A_89 : f32
    %mul3A_91 = arith.constant 1.000000e-01 : f32
    %mul3A_92 = arith.mulf %sub3A_90, %mul3A_91 : f32
    %add3A_93 = arith.addf %mul3A_42, %mul3A_44 : f32
    %add3A_94 = arith.addf %add3A_93, %mul3A_92 : f32
    %reshape3A = vector.broadcast %add3A_94 : f32 to vector<1x1xf32>
    %swap3A_95 = arith.constant 0 : index
    %swap3A_96 = arith.constant 0 : index
    %swap3A_97 = vector.load %arg2[%swap3A_95, %swap3A_96] : memref<1x1xf32, #tpu.memory_space<vmem>>, vector<1x1xf32>
    tpu.vector_store %arg2[%swap3A_95, %swap3A_96], %reshape3A {strides = array<i32>} : memref<1x1xf32, #tpu.memory_space<vmem>>, vector<1x1xf32>,
    %reshape3A_98 = vector.broadcast %mul3A_44 : f32 to vector<1x1xf32>
    %swap3A_99 = arith.constant 0 : index
    %swap3A_100 = arith.constant 0 : index
    %swap3A_101 = vector.load %arg3[%swap3A_99, %swap3A_100] : memref<1x1xf32, #tpu.memory_space<vmem>>, vector<1x1xf32>
    tpu.vector_store %arg3[%swap3A_99, %swap3A_100], %reshape3A_98 {strides = array<i32>} : memref<1x1xf32, #tpu.memory_space<vmem>>, vector<1x1xf32>,
    %reshape3A_102 = vector.broadcast %mul3A_42 : f32 to vector<1x1xf32>
    %swap3A_103 = arith.constant 0 : index
    %swap3A_104 = arith.constant 0 : index
    %swap3A_105 = vector.load %arg4[%swap3A_103, %swap3A_104] : memref<1x1xf32, #tpu.memory_space<vmem>>, vector<1x1xf32>
    tpu.vector_store %arg4[%swap3A_103, %swap3A_104], %reshape3A_102 {strides = array<i32>} : memref<1x1xf32, #tpu.memory_space<vmem>>, vector<1x1xf32>,
    %reshape3A_106 = vector.broadcast %mul3A_92 : f32 to vector<1x1xf32>
    %swap3A_107 = arith.constant 0 : index
    %swap3A_108 = arith.constant 0 : index
    %swap3A_109 = vector.load %arg5[%swap3A_107, %swap3A_108] : memref<1x1xf32, #tpu.memory_space<vmem>>, vector<1x1xf32>
    tpu.vector_store %arg5[%swap3A_107, %swap3A_108], %reshape3A_106 {strides = array<i32>} : memref<1x1xf32, #tpu.memory_space<vmem>>, vector<1x1xf32>,
    return
  }
}

</mosaic_0001>

<sc_bundles>
// kernel: kernel.4.cloned.1.call-start
scs
__scs_entry_jumppad:
0x0: {  	(pc) =	sbr.rel $0x88, $3  }
0x1: {  	(tag) =	ssettag $0x0;
	lr =	simm.s32 $0x1  }
0x2: {  	[smem:$0x3F9F] =	sst lr;
	_ =	strace $0xD0000000  }
0x3: {  	_ = 	snop  }
0x4: {  	_ = 	snop  }
0x5: {  	_ = 	snop  }
0x6: {  	_ = 	snop  }
0x7: {  	_ = 	snop  }
__scs_overlays_trampoline_lowered:
0x8: {  	[smem:$0x3FAE] =	sst s0  }
0x9: {  	[smem:$0x3FAF] =	sst s1  }
0xa: {  	[smem:$0x3FB0] =	sst s2  }
0xb: {  	[smem:$0x3FB1] =	sst s3  }
0xc: {  	[smem:$0x3FB2] =	sst s4  }
0xd: {  	[smem:$0x3FB3] =	sst s5  }
0xe: {  	[smem:$0x3FB4] =	sst s6  }
0xf: {  	[smem:$0x3FB5] =	sst s7  }
0x10: {  	[smem:$0x3FB6] =	sst s8  }
0x11: {  	[smem:$0x3FB7] =	sst s9;
	s0 =	simm.s32 @!p0 $0x0  }
0x12: {  	s1 =	sld [smem:$0x3F9D];
	s0 =	simm.s32 @p0 $0x1  }
0x13: {  	[smem:$0x3FB8] =	sst s0;
	s0 =	simm.s32 @!p1 $0x0  }
0x14: {  	s2 =	sld [smem:$0x3F9C];
	s0 =	simm.s32 @p1 $0x1  }
0x15: {  	[smem:$0x3FB9] =	sst s0;
	s0 =	simm.s32 @!p2 $0x0  }
0x16: {  	s3 =	sld [smem:$0x3FDB];
	s0 =	simm.s32 @p2 $0x1  }
0x17: {  	s4 =	simm.s32 $0x1BF5;
	[smem:$0x3FBB] =	sst s0  }
0x18: {  	s0 =	sld [smem:$0x3F9E];
	_ =	swait.ge [sflag:s4], $0x0  }
0x19: {  	s7 =	sld [smem:$0x3F9F]  }
0x1a: {  	s8 =	sadd.s32 $0xFFFFE003, lr  }
0x1b: {  	s9 =	sadd.s32 $0xFFFFFEF7, lr;
	s5 =	simm.s32 $0xFFFFFFFF;
	p2 =	slt.u32 s8, $0xFFFFF086  }
0x1c: {  	p1 =	slt.u32 s9, $0xF7A;
	s5 =	simm.s32 @!p2 $0x0  }
0x1d: {  	s5 =	simm.s32 @p1 $0x1;
	p0 =	seq.s32 s7, s2  }
0x1e: {  	s7 =	smul.u32 @!p0 $0xF7A, s2;
	p2 =	seq.s32 @!p0 s5, $0x0  }
0x1f: {  	s9 =	smul.u32 $0xF7A, s1;
	s8 =	simm.s32 @!p0 $0x1BF5;
	p2 =	por !p2, p0  }
0x20: {  	[sflag:s8] =	ssyncset.s32 @!p0 $0xFFFFF086;
	s6 =	sadd.s32 @!p0 s3, s7;
	s7 =	simm.s32 @!p0 $0x108  }
0x21: {  	s3 =	sadd.s32 s3, s9;
	s6 =	sadd.s32 @!p0 $0x88, s6;
	s7 =	simm.s32 @p2 $0x1082  }
0x22: {  	[simem:s7], [sflag:s8] =	dma.local @!p0 [hbm:s6], $0xF7A  }
0x23: {  	s9 =	sor.u32 $0xD0000000, s2;
	s6 =	simm.s32 $0x108;
	_ =	swait.ge @!p0 [sflag:s8], $0x0  }
0x24: {  	s3 =	sadd.s32 $0x88, s3;
	s6 =	simm.s32 @!p1 $0x1082;
	[sflag:s4] =	ssyncset.s32 $0xFFFFF086  }
0x25: {  	[simem:s6], [sflag:s4] =	dma.local [hbm:s3], $0xF7A  }
0x26: {  	[smem:$0x3F9F] =	sst s1;
	(tag) =	ssettag s2;
	_ =	strace s9  }
0x27: {  	s1 =	sld [smem:$0x3FAF]  }
0x28: {  	s2 =	sld [smem:$0x3FB0]  }
0x29: {  	s4 =	sld [smem:$0x3FB2]  }
0x2a: {  	p0 =	seq.s32 s5, $0x0;
	s5 =	sld [smem:$0x3FB3]  }
0x2b: {  	s6 =	sld [smem:$0x3FB4]  }
0x2c: {  	s7 =	sld [smem:$0x3FB5]  }
0x2d: {  	s3 =	simm.s32 $0x108;
	s8 =	sld [smem:$0x3FB6]  }
0x2e: {  	s3 =	simm.s32 @!p0 $0x1082;
	s9 =	sld [smem:$0x3FB7]  }
0x2f: {  	lr =	sadd.s32 s0, s3;
	s0 =	sld [smem:$0x3FAE]  }
0x30: {  	s3 =	sld [smem:$0x3FB1]  }
0x31: {  	[smem:$0x3FBA] =	sst s10  }
0x32: {  	s10 =	sld [smem:$0x3FB8];
	_ =	sdelay $0x3  }
0x33: {  	p0 =	seq.s32 s10, $0x1;
	s10 =	sld [smem:$0x3FBA];
	_ =	sdelay $0x3  }
0x34: {  	[smem:$0x3FBA] =	sst s10  }
0x35: {  	s10 =	sld [smem:$0x3FB9];
	_ =	sdelay $0x3  }
0x36: {  	p1 =	seq.s32 s10, $0x1;
	s10 =	sld [smem:$0x3FBA];
	_ =	sdelay $0x3  }
0x37: {  	[smem:$0x3FBA] =	sst s10  }
0x38: {  	s10 =	sld [smem:$0x3FBB]  }
0x39: {  	_ = 	snop;
	(pc) =	sbr.ind lr, $3  }
0x3a: {  	_ = 	snop  }
0x3b: {  	_ = 	snop  }
0x3c: {  	p2 =	seq.s32 s10, $0x1;
	s10 =	sld [smem:$0x3FBA]  }
0x3d: {  	_ =	shalt  }
0x3e: {  	_ =	shalt  }
0x3f: {  	_ =	shalt  }
0x40: {  	_ =	shalt  }
0x41: {  	_ =	shalt  }
0x42: {  	_ =	shalt  }
0x43: {  	_ =	shalt  }
0x44: {  	_ =	shalt  }
0x45: {  	_ =	shalt  }
0x46: {  	_ =	shalt  }
0x47: {  	_ =	shalt  }
0x48: {  	_ =	shalt  }
0x49: {  	_ =	shalt  }
0x4a: {  	_ =	shalt  }
0x4b: {  	_ =	shalt  }
0x4c: {  	_ =	shalt  }
0x4d: {  	_ =	shalt  }
0x4e: {  	_ =	shalt  }
0x4f: {  	_ =	shalt  }
0x50: {  	_ =	shalt  }
0x51: {  	_ =	shalt  }
0x52: {  	_ =	shalt  }
0x53: {  	_ =	shalt  }
0x54: {  	_ =	shalt  }
0x55: {  	_ =	shalt  }
0x56: {  	_ =	shalt  }
0x57: {  	_ =	shalt  }
0x58: {  	_ =	shalt  }
0x59: {  	_ =	shalt  }
0x5a: {  	_ =	shalt  }
0x5b: {  	_ =	shalt  }
0x5c: {  	_ =	shalt  }
0x5d: {  	_ =	shalt  }
0x5e: {  	_ =	shalt  }
0x5f: {  	_ =	shalt  }
0x60: {  	_ =	shalt  }
0x61: {  	_ =	shalt  }
0x62: {  	_ =	shalt  }
0x63: {  	_ =	shalt  }
0x64: {  	_ =	shalt  }
0x65: {  	_ =	shalt  }
0x66: {  	_ =	shalt  }
0x67: {  	_ =	shalt  }
0x68: {  	_ =	shalt  }
0x69: {  	_ =	shalt  }
0x6a: {  	_ =	shalt  }
0x6b: {  	_ =	shalt  }
0x6c: {  	_ =	shalt  }
0x6d: {  	_ =	shalt  }
0x6e: {  	_ =	shalt  }
0x6f: {  	_ =	shalt  }
0x70: {  	_ =	shalt  }
0x71: {  	_ =	shalt  }
0x72: {  	_ =	shalt  }
0x73: {  	_ =	shalt  }
0x74: {  	_ =	shalt  }
0x75: {  	_ =	shalt  }
0x76: {  	_ =	shalt  }
0x77: {  	_ =	shalt  }
0x78: {  	_ =	shalt  }
0x79: {  	_ =	shalt  }
0x7a: {  	_ =	shalt  }
0x7b: {  	_ =	shalt  }
0x7c: {  	_ =	shalt  }
0x7d: {  	_ =	shalt  }
0x7e: {  	_ =	shalt  }
0x7f: {  	_ =	shalt  }
0x80: {  	_ =	shalt  }
0x81: {  	_ =	shalt  }
0x82: {  	_ =	shalt  }
0x83: {  	_ =	shalt  }
0x84: {  	_ =	shalt  }
0x85: {  	_ =	shalt  }
0x86: {  	_ =	shalt  }
0x87: {  	_ =	shalt  }
.Lfunc_end0:
.L_simem_size_0:
called_computation_lowered:
.L_overlay_start_0:
0x88: {  	s2 =	sld [smem:$0x3FD9]  }
0x89: {  	s3 =	sld [smem:$0x3FFE];
	_ =	sdelay $0x1  }
0x8a: {  	s1 =	srdreg.scid  }
0x8b: {  	s0 =	sand.u32 $0x1, s1  }
0x8c: {  	s14 =	sshll.u32 s0, $0xA;
	s2 =	sadd.s32 s3, s2  }
0x8d: {  	s2 =	sadd.s32 s2, s14  }
0x8e: {  	[smem:$0x3FC6] =	sst s2  }
0x8f: {  	_ = 	snop  }
0x90: {  	s2 =	sld [smem:$0x3FD0];
	_ =	sdelay $0x2  }
0x91: {  	s15 =	simm.s32 $0xA;
	s4 =	simm.s32 $0x10  }
0x92: {  	[smem:s4], [sflag:s15] =	dma.local [hbm:s2], $0x1  }
0x93: {  	_ =	swait.eq [sflag:s15], $0x1  }
0x94: {  	[sflag:s15] =	ssyncset.done $0x0  }
0x95: {  	[sflag:s15] =	ssyncadd.s32 $0xFFFFFFFF  }
0x96: {  	s16 =	sld [smem:$0x10];
	(tm) =	ssettm $0x1  }
0x97: {  	s17 =	sld [smem:$0x3FFB];
	_ =	sdelay $0x3  }
0x98: {  	_ =	strace s17  }
0x99: {  	s3 =	sld [smem:$0x3FFC];
	_ =	sdelay $0x3  }
0x9a: {  	_ =	strace s3  }
0x9b: {  	s3 =	sld [smem:$0x3FFD];
	_ =	sdelay $0x3  }
0x9c: {  	_ =	strace s3  }
0x9d: {  	_ =	strace $0x8FFFFFFF  }
0x9e: {  	s18 =	sld [smem:$0x3FDB];
	_ =	sdelay $0x1  }
0x9f: {  	s19 =	simm.s32 $_scs_section_size  }
0xa0: {  	s5 =	simm.s32 $_size__tile_overlayer_lowered;
	s6 =	simm.s32 $_tile_overlayer_lowered  }
0xa1: {  	s22 =	simm.s32 $0x1BFF;
	s21 =	sshll.u32 s6, $0x1;
	s3 =	sadd.s32 s19, s18  }
0xa2: {  	s7 =	simm.s32 $0x0;
	s20 =	sshll.u32 s5, $0x1;
	s5 =	sadd.s32 s21, s3  }
0xa3: {  	[timem:s7], [sflag:s22] =	dma.local [hbm:s5], s20  }
0xa4: {  	_ =	swait.ge [sflag:s22], s20  }
0xa5: {  	s4 =	ssub.s32 $0x0, s20;
	[sflag:s22] =	ssyncset.done $0x0  }
0xa6: {  	[sflag:s22] =	ssyncadd.s32 s4;
	_ =	sdelay $0x1  }
0xa7: {  	s23 =	simm.s32 $0x1B8B  }
0xa8: {  	_ =	swait.ge [sflag:s23], $0x1  }
0xa9: {  	[sflag:s23] =	ssyncset.done $0x0  }
0xaa: {  	s25 =	simm.s32 $0x1B8E;
	s24 =	sld [smem:$0x3FFE];
	[sflag:s23] =	ssyncadd.s32 $0xFFFFFFFF  }
0xab: {  	s26 =	simm.s32 $execute0_lowered;
	[smem:$0x3FD2] =	sst s25  }
0xac: {  	s5 =	sshll.u32 s26, $0x1;
	_ =	strace $0x80000046;
	[dreg:$0x1] =	wrdreg $0xFFFFFFFF  }
0xad: {  	s28 =	simm.s32 $_size_execute0_lowered;
	s3 =	sadd.s32 s3, s5;
	[dreg:$0x0] =	wrdreg $0x0  }
0xae: {  	s5 =	sshll.u32 s28, $0x1;
	[dreg:$0x2] =	wrdreg s3  }
0xaf: {  	[dreg:$0x3] =	wrdreg s5  }
0xb0: {  	[dreg:$0x4] =	wrdreg $0xC0  }
0xb1: {  	_ =	task [dreg:s7], $0x5FFFF  }
0xb2: {  	[dreg:$0x1] =	wrdreg $0xFFFFFFFF  }
0xb3: {  	[dreg:$0x0] =	wrdreg $0x60  }
0xb4: {  	[dreg:$0x2] =	wrdreg s24  }
0xb5: {  	[dreg:$0x3] =	wrdreg s16  }
0xb6: {  	[dreg:$0x4] =	wrdreg $0x9  }
0xb7: {  	_ =	task.clear_ibuf [dreg:s7], $0x5FFFF;
	_ =	strace $0x90000046  }
0xb8: {  	s29 =	simm.s32 $0x9;
	_ =	strace $0x80000048  }
0xb9: {  	_ =	swait.ge [sflag:s29], $0x1  }
0xba: {  	[sflag:s29] =	ssyncadd.s32 $0xFFFFFFFF  }
0xbb: {  	_ =	strace $0x90000048  }
0xbc: {  	_ =	sfence  }
0xbd: {  	s30 =	sld [smem:$0x0];
	_ =	sdelay $0x2  }
0xbe: {  	s31 =	sshll.u32 s1, $0xD;
	s1 =	sshrl.u32 s1, $0x2  }
0xbf: {  	s3 =	sand.u32 $0x4000, s31;
	s1 =	sadd.s32 s1, s30  }
0xc0: {  	s0 =	sor.u32 s3, s0;
	s1 =	sshll.u32 s1, $0x11  }
0xc1: {  	s0 =	sor.u32 s1, s0  }
0xc2: {  	s0 =	sadd.s32 $0x8F2B, s0  }
0xc3: {  	[sflag:s0] =	ssyncadd.remote.s32 $0x1  }
0xc4: {  	_ =	sfence.sel $0xFFFF  }
0xc5: {  	[dreg:$0x0] =	wrdreg $0xFFFFFFFF;
	(pc) =	sbr.abs _section_cstart, $3  }
0xc6: {  	[dreg:$0x1] =	wrdreg $0xFFFFFFFF  }
0xc7: {  	_ =	task.clear_ibuf [dreg:s7], $0x2FFFF;
	_ =	strace $0x9FFFFFFF  }
0xc8: {  	(tm) =	ssettm $0x7FFFFFFF  }
0xc9: {  	_ =	shalt  }
tec
execute0_lowered:
.L_overlay_start_1:
0x0: {  	(tag) =	ssettag $0x1  }
0x1: {  	s1 =	stileid.u32  }
0x2: {  	p0 =	sgt.u32 s1, $0xB  }
.Ltmp0:
0x3: {  	_ = 	snop;
	(pc) =	sbr.rel @p0 .LBB2_4-.Ltmp0, $4  }
0x4: {  	s9 =	rddreg [dreg:$0x0]  }
0x5: {  	s3 =	rddreg [dreg:$0x1];
	s2 =	simm.s32 $0x0  }
0x6: {  	[smem:$0x7FF] =	sst s2  }
0x7: {  	s0 =	rddreg [dreg:$0x2];
	_ =	strace $0x80000047  }
0x8: {  	s4 =	srdreg.scid  }
0x9: {  	s29 =	sshll.u32 s1, $0x1;
	s6 =	sand.u32 $0x1, s4  }
0xa: {  	s7 =	sor.u32 s6, s29  }
0xb: {  	s4 =	smul.u32 $0x6, s7  }
0xc: {  	s5 =	sadd.s32 $0x800, s9;
	s8 =	simm.s32 $0x1;
	s11 =	ssub.s32 $0x2, s6  }
0xd: {  	s6 =	simm.s32 $0x30;
	s4 =	sadd.s32 s3, s4;
	s3 =	simm.s32 $0x2  }
0xe: {  	[tilespmem:s2], [sflag:$0x2] =	stream.linear.gather [hbm4b:s4+s2], $0x30, $0x38;
	[tilespmem:$0x1880] =	vst v63  }
0xf: {  	s10 =	smul.u32 $0x300, s7;
	s12 =	sshrl.u32 s11, $0x1;
	_ =	swait.ge [sflag:s3], $0x30  }
0x10: {  	s7 =	simm.s32 $0x80;
	s31 =	ssub.s32 s11, s12;
	[sflag:s3] =	ssyncset.done $0x0  }
0x11: {  	s30 =	sadd.s32 s10, s9;
	s10 =	smax.u32 s31, $0x1;
	[sflag:s3] =	ssyncadd.s32 $0xFFFFFFD0  }
0x12: {  	[tilespmem:s7], [sflag:$0x1] =	stream.indirect.gather [hbm4b:s5+s6], $0x80, s2, s6, $0xb8;
	[tilespmem:$0x1880] =	vst v63  }
0x13: {  	p0 =	sne.s32 s10, $0x1;
	_ =	swait.ge [sflag:s8], $0x1800  }
.Ltmp1:
0x14: {  	[sflag:s8] =	ssyncset.done $0x0;
	(pc) =	sbr.rel @!p0 .LBB2_3-.Ltmp1, $4  }
0x15: {  	s9 =	sadd.s32 $0x4800, s30;
	[sflag:s8] =	ssyncadd.s32 $0xFFFFE800  }
0x16: {  	[hbm4b:s9+s2] =	stream.linear.scatter [tilespmem:s7], [sflag:$0x2], $0x1800, $0x38;
	[tilespmem:$0x1880] =	vst v63  }
0x17: {  	_ =	swait.ge [sflag:s3], $0x1800  }
0x18: {  	s10 =	sadd.s32 $0xFFFFFFFF, s10;
	[sflag:s3] =	ssyncset.done $0x0  }
.LBB2_2:
0x19: {  	p0 =	sne.s32 s10, $0x1;
	s10 =	sadd.s32 $0xFFFFFFFF, s10;
	[sflag:s3] =	ssyncadd.s32 $0xFFFFE800  }
0x1a: {  	[tilespmem:s2], [sflag:$0x2] =	stream.linear.gather [hbm4b:s4+s2], $0x30, $0x38;
	[tilespmem:$0x1880] =	vst v63  }
0x1b: {  	_ =	swait.ge [sflag:s3], $0x30  }
0x1c: {  	[sflag:s3] =	ssyncset.done $0x0  }
0x1d: {  	[sflag:s3] =	ssyncadd.s32 $0xFFFFFFD0  }
0x1e: {  	[tilespmem:s7], [sflag:$0x1] =	stream.indirect.gather [hbm4b:s5+s6], $0x80, s2, s6, $0xb8;
	[tilespmem:$0x1880] =	vst v63  }
0x1f: {  	_ =	swait.ge [sflag:s8], $0x1800  }
.Ltmp2:
0x20: {  	[sflag:s8] =	ssyncset.done $0x0;
	(pc) =	sbr.rel @p0 .LBB2_2-.Ltmp2, $4  }
0x21: {  	[sflag:s8] =	ssyncadd.s32 $0xFFFFE800  }
0x22: {  	[hbm4b:s9+s2] =	stream.linear.scatter [tilespmem:s7], [sflag:$0x2], $0x1800, $0x38;
	[tilespmem:$0x1880] =	vst v63  }
0x23: {  	_ =	swait.ge [sflag:s3], $0x1800  }
0x24: {  	[sflag:s3] =	ssyncset.done $0x0  }
.LBB2_3:
0x25: {  	[sflag:s3] =	ssyncadd.s32 $0xFFFFE800  }
.LBB2_4:
0x26: {  	_ =	sfence.sel $0x180000  }
0x27: {  	[bflag:$0x0] =	sbarrier.arrive $0xFFFF  }
0x28: {  	p0 =	sne.s32 s1, $0x0;
	_ =	strace $0x90000047  }
0x29: {  	s0 =	sadd.s32 @!p0 $0x100000, s0;
	[bflag:$0x2] =	sbarrier.arrive $0xFFFF  }
0x2a: {  	[sflag:s0] =	ssyncadd.tile.s32 @!p0 $0x1;
	_ =	shalt  }
.Lfunc_end2:
_tile_overlayer_lowered:
.L_overlay_start_2:
0x2b: {  	(tag) =	ssettag $0x2  }
0x2c: {  	s0 =	rddreg [dreg:$0x0];
	s2 =	stileid.u32  }
0x2d: {  	s1 =	rddreg [dreg:$0x1];
	p0 =	sne.s32 s2, $0x0  }
0x2e: {  	s3 =	rddreg [dreg:$0x2];
	[bflag:$0x3] =	sbarrier.arrive $0xFFFF;
	s2 =	simm.s32 @!p0 $0x1C02  }
0x2f: {  	[timem:s3], [sflag:s2] =	dma.local @!p0 [hbm:s0], s1  }
0x30: {  	s0 =	simm.s32 @!p0 $0x2  }
0x31: {  	_ =	swait.ge @!p0 [sflag:s0], s1  }
0x32: {  	s1 =	ssub.s32 @!p0 $0x0, s1;
	[sflag:s0] =	ssyncset.done @!p0 $0x0  }
0x33: {  	[sflag:s0] =	ssyncadd.s32 @!p0 s1  }
0x34: {  	[bflag:$0x3] =	sbarrier.arrive $0xFFFF  }
0x35: {  	_ =	shalt  }

</sc_bundles>
